<compile_context>
chip_gen: v7x
topology: tpu7x:2x2x1
jax: 0.10.2.dev20260603
libtpu: 0.0.44.dev20260713+nightly
codegen_flags: <defaults>
</compile_context>

<pallas_src>
import functools

import jax
import jax.numpy as jnp
from jax import lax
from jax.experimental import pallas as pl
from jax.experimental.pallas import tpu as pltpu
from jax.experimental.pallas import tpu_sc as plsc

NC = 2
NS = 16
NW = NC * NS
LANES = 16
BATCH = 128
COLS = 2048


def _tc_merge(val2d, rand2d, mask1d, sz):
  rows, cols = val2d.shape
  blk = 256

  def body(v_ref, r_ref, m_ref, sz_ref, o_ref):
    scale = sz_ref[0:1, 0:1]
    zp = sz_ref[1:2, 0:1]
    deq = (r_ref[...].astype(jnp.float32) - zp) * scale
    mask = m_ref[...].reshape(blk, cols)
    o_ref[...] = jnp.where(mask != 0, deq, v_ref[...])

  return pl.pallas_call(
      body,
      out_shape=jax.ShapeDtypeStruct((rows, cols), val2d.dtype),
      grid=(rows // blk,),
      in_specs=[
          pl.BlockSpec((blk, cols), lambda i: (i, 0)),
          pl.BlockSpec((blk, cols), lambda i: (i, 0)),
          pl.BlockSpec((blk * cols,), lambda i: (i,)),
          pl.BlockSpec((2, 1), lambda i: (0, 0)),
      ],
      out_specs=pl.BlockSpec((blk, cols), lambda i: (i, 0)),
  )(val2d, rand2d, mask1d, sz)


def _tc_zero(total):
  blk = 1024 * 1024

  return pl.pallas_call(
      lambda o_ref: o_ref.__setitem__((...,), jnp.zeros((blk,), jnp.int32)),
      out_shape=jax.ShapeDtypeStruct((total,), jnp.int32),
      grid=(total // blk,),
      out_specs=pl.BlockSpec((blk,), lambda i: (i,)),
  )()


def _make_sc_mask_scatter(k_rows):
  mesh = plsc.VectorSubcoreMesh(core_axis_name="c", subcore_axis_name="s")

  @functools.partial(
      pl.kernel,
      mesh=mesh,
      scratch_types=[
          pltpu.VMEM((k_rows, BATCH), jnp.int32),
          pltpu.VMEM((BATCH,), jnp.int32),
          pltpu.SemaphoreType.DMA,
      ],
  )
  def sc_mask(mask_ref, idx_hbm, idx_v, ones_v, sem):
    wid = lax.axis_index("s") * NC + lax.axis_index("c")
    pltpu.sync_copy(idx_hbm.at[wid], idx_v)
    for k in range(BATCH // LANES):
      ones_v[pl.ds(k * LANES, LANES)] = jnp.ones((LANES,), jnp.int32)

    @pl.loop(0, k_rows)
    def _fire(r):
      pltpu.async_copy(ones_v, mask_ref.at[idx_v.at[r]], sem)

    @pl.loop(0, k_rows)
    def _drain(r):
      pltpu.make_async_copy(ones_v, mask_ref.at[idx_v.at[r]], sem).wait()

  return sc_mask


def kernel(value, scale, zero_point, flat_indices, rand_int):
  shape = value.shape
  total = value.size
  n_idx = flat_indices.shape[0]

  k_rows = -(-n_idx // (NW * BATCH))
  n_pad = NW * k_rows * BATCH
  pad = jnp.broadcast_to(flat_indices[:1], (n_pad - n_idx,))
  idx3 = jnp.concatenate([flat_indices, pad]).reshape(NW, k_rows, BATCH)

  sz = jnp.stack([
      scale.astype(jnp.float32),
      zero_point.astype(jnp.float32),
  ])

  mask_ref = jax.new_ref(_tc_zero(total))
  _make_sc_mask_scatter(k_rows)(mask_ref, idx3)

  out2d = _tc_merge(
      value.reshape(-1, COLS), rand_int.reshape(-1, COLS), mask_ref[...], sz)
  return out2d.reshape(shape)

# --- scband reference (transcript-rebuilt; emitter-appended) ---
"""Pipeline reference for scband-quant-activation-fault-injection-layer-34763465294107 (READ-ONLY COPY).

The authoritative reference and input builder live on the scoring server;
editing this copy changes nothing except your own understanding.
"""

import jax, jax.numpy as jnp
import numpy as np

PROB = 5.0
SHAPE = (2, 4096, 2048)


def setup_inputs(seed: int = 0) -> dict:
    key = jax.random.key(seed)
    k1, k2, k3 = jax.random.split(key, 3)
    total = SHAPE[0] * SHAPE[1] * SHAPE[2]
    value = jax.random.normal(k1, SHAPE, dtype=jnp.float32)
    scale = jnp.ones((1,), dtype=jnp.float32) * 0.05
    zero_point = jnp.zeros((1,), dtype=jnp.float32)
    num_to_inject = int(PROB / 100.0 * total)
    # torch uses randperm(total)[:num]; randint is an equivalent-cost stand-in
    # (duplicates are idempotent under scatter-set of True)
    flat_indices = jax.random.randint(k2, (num_to_inject,), 0, total, dtype=jnp.int32)
    # RandomStrategy: random int8-range codes injected at masked positions
    rand_int = jax.random.randint(k3, SHAPE, -128, 128, dtype=jnp.int32)
    return {
        'value': value,
        'scale': scale,
        'zero_point': zero_point,
        'flat_indices': flat_indices,
        'rand_int': rand_int,
    }


def reference(value, scale, zero_point, flat_indices, rand_int):
    shape = value.shape
    total = value.size
    # build boolean fault mask via scatter-overwrite (torch: condition_tensor[flat_indices] = True)
    condition_tensor = jnp.zeros((total,), dtype=bool).at[flat_indices].set(True).reshape(shape)
    # quantize to integer domain
    int_tensor = jnp.round(value / scale) + zero_point
    int_tensor = int_tensor.astype(jnp.int32)
    # RandomStrategy.inject: replace masked int codes with random in-range codes
    injected_int = jnp.where(condition_tensor, rand_int, int_tensor)
    # dequantize
    injected_float = (injected_int.astype(jnp.float32) - zero_point) * scale
    # ActivationFaultInjectionFunction.apply: forward selects injected values at mask;
    # backward zeroes gradients at faulty positions -> stop_gradient on injected branch
    output_value = jnp.where(condition_tensor, jax.lax.stop_gradient(injected_float), value)
    return output_value

if __name__ == "__main__":
    import jax
    _d = setup_inputs()
    print(jax.jit(kernel)(*tuple(_d.values())))

</pallas_src>

<mosaic_0001>
#map = affine_map<(d0, d1) -> (0)>
#map1 = affine_map<(d0, d1) -> (0, 0, 0)>
module attributes {stable_mosaic.version = 14 : i64} {
  func.func @new_body(%arg0: i32, %arg1: i32, %arg2: memref<16777216xi32, #tpu.memory_space<hbm>>, %arg3: memref<32x205x128xi32, #tpu.memory_space<hbm>>, %arg4: memref<16777216xi32, #tpu.memory_space<hbm>>, %arg5: memref<205x128xi32, #tpu.memory_space<vmem>>, %arg6: memref<128xi32, #tpu.memory_space<vmem>>, %arg7: memref<!tpu.dma_semaphore, #tpu.memory_space<semaphore_mem>>) attributes {dimension_semantics = [#tpu.dimension_semantics<core_parallel>, #tpu.dimension_semantics<subcore_parallel>], iteration_bounds = array<i64: 2, 16>, scalar_prefetch = 0 : i64, scratch_operands = 3 : i64, tpu.core_type = #tpu.core_type<sc_vector_subcore>, window_params = [{transform_indices = #map}, {transform_indices = #map1}, {transform_indices = #map}]} {
    %mul3A = arith.constant 2 : i32
    %mul3A_0 = arith.muli %arg1, %mul3A : i32
    %add3A = arith.addi %mul3A_0, %arg0 : i32
    "tpu.region"() ({
      %run_scoped3A = tpu.sem_alloc : memref<!tpu.dma_semaphore, #tpu.memory_space<semaphore_mem>>
      %dma_start3A = arith.constant 0 : i32
      %dma_start3A_56 = arith.constant 0 : i32
      %dma_start3A_57 = tpu.memref_slice %arg3[%add3A, %dma_start3A, %dma_start3A_56] : memref<32x205x128xi32, #tpu.memory_space<hbm>> -> memref<1x205x128xi32, #tpu.memory_space<hbm>>
      %dma_start3A_58 = tpu.memref_squeeze %dma_start3A_57 : memref<1x205x128xi32, #tpu.memory_space<hbm>> -> memref<205x128xi32, #tpu.memory_space<hbm>>
      %dma_start3A_59 = arith.constant 0 : i32
      %dma_start3A_60 = arith.constant 0 : i32
      %dma_start3A_61 = tpu.memref_slice %arg3[%add3A, %dma_start3A_59, %dma_start3A_60] : memref<32x205x128xi32, #tpu.memory_space<hbm>> -> memref<1x205x128xi32, #tpu.memory_space<hbm>>
      %dma_start3A_62 = tpu.memref_squeeze %dma_start3A_61 : memref<1x205x128xi32, #tpu.memory_space<hbm>> -> memref<205x128xi32, #tpu.memory_space<hbm>>
      tpu.enqueue_dma source(%dma_start3A_62 : memref<205x128xi32, #tpu.memory_space<hbm>>) target(%arg5 : memref<205x128xi32, #tpu.memory_space<vmem>>) target_semaphore(%run_scoped3A : memref<!tpu.dma_semaphore, #tpu.memory_space<semaphore_mem>>)
      %dma_wait3A = arith.constant 0 : i32
      %dma_wait3A_63 = arith.constant 0 : i32
      %dma_wait3A_64 = tpu.memref_slice %arg3[%add3A, %dma_wait3A, %dma_wait3A_63] : memref<32x205x128xi32, #tpu.memory_space<hbm>> -> memref<1x205x128xi32, #tpu.memory_space<hbm>>
      %dma_wait3A_65 = tpu.memref_squeeze %dma_wait3A_64 : memref<1x205x128xi32, #tpu.memory_space<hbm>> -> memref<205x128xi32, #tpu.memory_space<hbm>>
      %dma_wait3A_66 = arith.constant 0 : i32
      %dma_wait3A_67 = arith.constant 0 : i32
      %dma_wait3A_68 = tpu.memref_slice %arg3[%add3A, %dma_wait3A_66, %dma_wait3A_67] : memref<32x205x128xi32, #tpu.memory_space<hbm>> -> memref<1x205x128xi32, #tpu.memory_space<hbm>>
      %dma_wait3A_69 = tpu.memref_squeeze %dma_wait3A_68 : memref<1x205x128xi32, #tpu.memory_space<hbm>> -> memref<205x128xi32, #tpu.memory_space<hbm>>
      tpu.wait_dma2 semaphore(%run_scoped3A : memref<!tpu.dma_semaphore, #tpu.memory_space<semaphore_mem>>) src(%dma_wait3A_69 : memref<205x128xi32, #tpu.memory_space<hbm>>) dst(%arg5 : memref<205x128xi32, #tpu.memory_space<vmem>>)
      tpu.yield
    }) : () -> ()
    %broadcast_in_dim3A = arith.constant 1 : i32
    %broadcast_in_dim3A_1 = vector.broadcast %broadcast_in_dim3A : i32 to vector<16xi32>
    %swap3A = arith.constant 0 : index
    %swap3A_2 = tpu.vector_load %arg6[%swap3A] {strides = array<i32>} : memref<128xi32, #tpu.memory_space<vmem>>, vector<16xi32>,
    %swap3A_3 = vector.shape_cast %swap3A_2 : vector<16xi32> to vector<16xi32>
    %swap3A_4 = vector.shape_cast %broadcast_in_dim3A_1 : vector<16xi32> to vector<16xi32>
    tpu.vector_store %arg6[%swap3A], %swap3A_4 {strides = array<i32>} : memref<128xi32, #tpu.memory_space<vmem>>, vector<16xi32>,
    %broadcast_in_dim3A_5 = arith.constant 1 : i32
    %broadcast_in_dim3A_6 = vector.broadcast %broadcast_in_dim3A_5 : i32 to vector<16xi32>
    %swap3A_7 = arith.constant 16 : index
    %swap3A_8 = tpu.vector_load %arg6[%swap3A_7] {strides = array<i32>} : memref<128xi32, #tpu.memory_space<vmem>>, vector<16xi32>,
    %swap3A_9 = vector.shape_cast %swap3A_8 : vector<16xi32> to vector<16xi32>
    %swap3A_10 = vector.shape_cast %broadcast_in_dim3A_6 : vector<16xi32> to vector<16xi32>
    tpu.vector_store %arg6[%swap3A_7], %swap3A_10 {strides = array<i32>} : memref<128xi32, #tpu.memory_space<vmem>>, vector<16xi32>,
    %broadcast_in_dim3A_11 = arith.constant 1 : i32
    %broadcast_in_dim3A_12 = vector.broadcast %broadcast_in_dim3A_11 : i32 to vector<16xi32>
    %swap3A_13 = arith.constant 32 : index
    %swap3A_14 = tpu.vector_load %arg6[%swap3A_13] {strides = array<i32>} : memref<128xi32, #tpu.memory_space<vmem>>, vector<16xi32>,
    %swap3A_15 = vector.shape_cast %swap3A_14 : vector<16xi32> to vector<16xi32>
    %swap3A_16 = vector.shape_cast %broadcast_in_dim3A_12 : vector<16xi32> to vector<16xi32>
    tpu.vector_store %arg6[%swap3A_13], %swap3A_16 {strides = array<i32>} : memref<128xi32, #tpu.memory_space<vmem>>, vector<16xi32>,
    %broadcast_in_dim3A_17 = arith.constant 1 : i32
    %broadcast_in_dim3A_18 = vector.broadcast %broadcast_in_dim3A_17 : i32 to vector<16xi32>
    %swap3A_19 = arith.constant 48 : index
    %swap3A_20 = tpu.vector_load %arg6[%swap3A_19] {strides = array<i32>} : memref<128xi32, #tpu.memory_space<vmem>>, vector<16xi32>,
    %swap3A_21 = vector.shape_cast %swap3A_20 : vector<16xi32> to vector<16xi32>
    %swap3A_22 = vector.shape_cast %broadcast_in_dim3A_18 : vector<16xi32> to vector<16xi32>
    tpu.vector_store %arg6[%swap3A_19], %swap3A_22 {strides = array<i32>} : memref<128xi32, #tpu.memory_space<vmem>>, vector<16xi32>,
    %broadcast_in_dim3A_23 = arith.constant 1 : i32
    %broadcast_in_dim3A_24 = vector.broadcast %broadcast_in_dim3A_23 : i32 to vector<16xi32>
    %swap3A_25 = arith.constant 64 : index
    %swap3A_26 = tpu.vector_load %arg6[%swap3A_25] {strides = array<i32>} : memref<128xi32, #tpu.memory_space<vmem>>, vector<16xi32>,
    %swap3A_27 = vector.shape_cast %swap3A_26 : vector<16xi32> to vector<16xi32>
    %swap3A_28 = vector.shape_cast %broadcast_in_dim3A_24 : vector<16xi32> to vector<16xi32>
    tpu.vector_store %arg6[%swap3A_25], %swap3A_28 {strides = array<i32>} : memref<128xi32, #tpu.memory_space<vmem>>, vector<16xi32>,
    %broadcast_in_dim3A_29 = arith.constant 1 : i32
    %broadcast_in_dim3A_30 = vector.broadcast %broadcast_in_dim3A_29 : i32 to vector<16xi32>
    %swap3A_31 = arith.constant 80 : index
    %swap3A_32 = tpu.vector_load %arg6[%swap3A_31] {strides = array<i32>} : memref<128xi32, #tpu.memory_space<vmem>>, vector<16xi32>,
    %swap3A_33 = vector.shape_cast %swap3A_32 : vector<16xi32> to vector<16xi32>
    %swap3A_34 = vector.shape_cast %broadcast_in_dim3A_30 : vector<16xi32> to vector<16xi32>
    tpu.vector_store %arg6[%swap3A_31], %swap3A_34 {strides = array<i32>} : memref<128xi32, #tpu.memory_space<vmem>>, vector<16xi32>,
    %broadcast_in_dim3A_35 = arith.constant 1 : i32
    %broadcast_in_dim3A_36 = vector.broadcast %broadcast_in_dim3A_35 : i32 to vector<16xi32>
    %swap3A_37 = arith.constant 96 : index
    %swap3A_38 = tpu.vector_load %arg6[%swap3A_37] {strides = array<i32>} : memref<128xi32, #tpu.memory_space<vmem>>, vector<16xi32>,
    %swap3A_39 = vector.shape_cast %swap3A_38 : vector<16xi32> to vector<16xi32>
    %swap3A_40 = vector.shape_cast %broadcast_in_dim3A_36 : vector<16xi32> to vector<16xi32>
    tpu.vector_store %arg6[%swap3A_37], %swap3A_40 {strides = array<i32>} : memref<128xi32, #tpu.memory_space<vmem>>, vector<16xi32>,
    %broadcast_in_dim3A_41 = arith.constant 1 : i32
    %broadcast_in_dim3A_42 = vector.broadcast %broadcast_in_dim3A_41 : i32 to vector<16xi32>
    %swap3A_43 = arith.constant 112 : index
    %swap3A_44 = tpu.vector_load %arg6[%swap3A_43] {strides = array<i32>} : memref<128xi32, #tpu.memory_space<vmem>>, vector<16xi32>,
    %swap3A_45 = vector.shape_cast %swap3A_44 : vector<16xi32> to vector<16xi32>
    %swap3A_46 = vector.shape_cast %broadcast_in_dim3A_42 : vector<16xi32> to vector<16xi32>
    tpu.vector_store %arg6[%swap3A_43], %swap3A_46 {strides = array<i32>} : memref<128xi32, #tpu.memory_space<vmem>>, vector<16xi32>,
    %scan3A = arith.constant 0 : i32
    %scan3A_47 = arith.constant 205 : i32
    %scan3A_48 = arith.addi %scan3A, %scan3A_47 : i32
    %scan3A_49 = arith.constant 1 : i32
    scf.for %scan3A_56 = %scan3A to %scan3A_48 step %scan3A_49  : i32 {
      %mul3A_57 = arith.constant 1 : i32
      %mul3A_58 = arith.muli %scan3A_56, %mul3A_57 : i32
      %add3A_59 = arith.constant 0 : i32
      %add3A_60 = arith.addi %add3A_59, %mul3A_58 : i32
      %dma_start3A = arith.constant 0 : i32
      %dma_start3A_61 = tpu.memref_slice %arg5[%add3A_60, %dma_start3A] : memref<205x128xi32, #tpu.memory_space<vmem>> -> memref<1x128xi32, #tpu.memory_space<vmem>>
      %dma_start3A_62 = tpu.memref_squeeze %dma_start3A_61 : memref<1x128xi32, #tpu.memory_space<vmem>> -> memref<128xi32, #tpu.memory_space<vmem>>
      %dma_start3A_63 = arith.constant 0 : i32
      %dma_start3A_64 = tpu.memref_slice %arg2[%dma_start3A_63] : memref<16777216xi32, #tpu.memory_space<hbm>> -> memref<16777216xi32, #tpu.memory_space<hbm>>
      tpu.enqueue_indirect_dma source(%arg6 : memref<128xi32, #tpu.memory_space<vmem>>) target(%dma_start3A_64 : memref<16777216xi32, #tpu.memory_space<hbm>>) offsets(%dma_start3A_62 : memref<128xi32, #tpu.memory_space<vmem>>) semaphore(%arg7 : memref<!tpu.dma_semaphore, #tpu.memory_space<semaphore_mem>>)
    }
    %scan3A_50 = arith.constant 205 : i32
    %scan3A_51 = arith.constant 0 : i32
    %scan3A_52 = arith.constant 205 : i32
    %scan3A_53 = arith.addi %scan3A_51, %scan3A_52 : i32
    %scan3A_54 = arith.constant 1 : i32
    scf.for %scan3A_56 = %scan3A_51 to %scan3A_53 step %scan3A_54  : i32 {
      %mul3A_57 = arith.constant 1 : i32
      %mul3A_58 = arith.muli %scan3A_56, %mul3A_57 : i32
      %add3A_59 = arith.constant 0 : i32
      %add3A_60 = arith.addi %add3A_59, %mul3A_58 : i32
      %dma_wait3A = arith.constant 0 : i32
      %dma_wait3A_61 = tpu.memref_slice %arg5[%add3A_60, %dma_wait3A] : memref<205x128xi32, #tpu.memory_space<vmem>> -> memref<1x128xi32, #tpu.memory_space<vmem>>
      %dma_wait3A_62 = tpu.memref_squeeze %dma_wait3A_61 : memref<1x128xi32, #tpu.memory_space<vmem>> -> memref<128xi32, #tpu.memory_space<vmem>>
      %dma_wait3A_63 = arith.constant 0 : i32
      %dma_wait3A_64 = tpu.memref_slice %arg2[%dma_wait3A_63] : memref<16777216xi32, #tpu.memory_space<hbm>> -> memref<16777216xi32, #tpu.memory_space<hbm>>
      tpu.wait_indirect_dma semaphore(%arg7 : memref<!tpu.dma_semaphore, #tpu.memory_space<semaphore_mem>>) src(%arg6 : memref<128xi32, #tpu.memory_space<vmem>>) dst(%dma_wait3A_64 : memref<16777216xi32, #tpu.memory_space<hbm>>)
    }
    %scan3A_55 = arith.constant 205 : i32
    return
  }
}

module attributes {stable_mosaic.version = 14 : i64} {
  func.func @body(%arg0: i32, %arg1: memref<256x2048xf32, #tpu.memory_space<vmem>>, %arg2: memref<256x2048xi32, #tpu.memory_space<vmem>>, %arg3: memref<524288xi32, #tpu.memory_space<vmem>>, %arg4: memref<2x1xf32, #tpu.memory_space<vmem>>, %arg5: memref<256x2048xf32, #tpu.memory_space<vmem>>) attributes {dimension_semantics = [#tpu.dimension_semantics<arbitrary>], iteration_bounds = array<i64: 32>, scalar_prefetch = 0 : i64, scratch_operands = 0 : i64, tpu.core_type = #tpu.core_type<tc>, window_params = [{transform_indices = @transform_0, window_bounds = array<i64: 256, 2048>}, {transform_indices = @transform_1, window_bounds = array<i64: 256, 2048>}, {transform_indices = @transform_2, window_bounds = array<i64: 524288>}, {pipeline_mode = #tpu.pipeline_mode<synchronous>, transform_indices = @transform_3, window_bounds = array<i64: 2, 1>}, {transform_indices = @transform_4, window_bounds = array<i64: 256, 2048>}]} {
    %get3A = arith.constant 0 : index
    %get3A_0 = arith.constant 0 : index
    %get3A_1 = vector.load %arg4[%get3A, %get3A_0] : memref<2x1xf32, #tpu.memory_space<vmem>>, vector<1x1xf32>
    %get3A_2 = arith.constant 1 : index
    %get3A_3 = arith.constant 0 : index
    %get3A_4 = vector.load %arg4[%get3A_2, %get3A_3] : memref<2x1xf32, #tpu.memory_space<vmem>>, vector<1x1xf32>
    %get3A_5 = arith.constant 0 : index
    %get3A_6 = arith.constant 0 : index
    %get3A_7 = vector.load %arg2[%get3A_5, %get3A_6] : memref<256x2048xi32, #tpu.memory_space<vmem>>, vector<256x2048xi32>
    %convert_element_type3A = arith.sitofp %get3A_7 : vector<256x2048xi32> to vector<256x2048xf32>
    %sub3A = vector.broadcast %get3A_4 : vector<1x1xf32> to vector<256x2048xf32>
    %sub3A_8 = arith.subf %convert_element_type3A, %sub3A : vector<256x2048xf32>
    %mul3A = vector.broadcast %get3A_1 : vector<1x1xf32> to vector<256x2048xf32>
    %mul3A_9 = arith.mulf %sub3A_8, %mul3A : vector<256x2048xf32>
    %get3A_10 = arith.constant 0 : index
    %get3A_11 = vector.load %arg3[%get3A_10] : memref<524288xi32, #tpu.memory_space<vmem>>, vector<524288xi32>
    %reshape3A = vector.shape_cast %get3A_11 : vector<524288xi32> to vector<256x2048xi32>
    %ne3A = arith.constant 0 : i32
    %ne3A_12 = vector.broadcast %ne3A : i32 to vector<256x2048xi32>
    %ne3A_13 = arith.cmpi ne, %reshape3A, %ne3A_12 : vector<256x2048xi32>
    %get3A_14 = arith.constant 0 : index
    %get3A_15 = arith.constant 0 : index
    %get3A_16 = vector.load %arg1[%get3A_14, %get3A_15] : memref<256x2048xf32, #tpu.memory_space<vmem>>, vector<256x2048xf32>
    %select_n3A = arith.select %ne3A_13, %mul3A_9, %get3A_16 : vector<256x2048xi1>, vector<256x2048xf32>
    %swap3A = arith.constant 0 : index
    %swap3A_17 = arith.constant 0 : index
    %swap3A_18 = vector.load %arg5[%swap3A, %swap3A_17] : memref<256x2048xf32, #tpu.memory_space<vmem>>, vector<256x2048xf32>
    tpu.vector_store %arg5[%swap3A, %swap3A_17], %select_n3A {strides = array<i32>} : memref<256x2048xf32, #tpu.memory_space<vmem>>, vector<256x2048xf32>,
    return
  }
  func.func @transform_0(%arg0: i32) -> (i32, i32) {
    %c0_i32 = arith.constant 0 : i32
    %c0_i32_0 = arith.constant 0 : i32
    return %arg0, %c0_i32 : i32, i32
  }
  func.func @transform_1(%arg0: i32) -> (i32, i32) {
    %c0_i32 = arith.constant 0 : i32
    %c0_i32_0 = arith.constant 0 : i32
    return %arg0, %c0_i32 : i32, i32
  }
  func.func @transform_2(%arg0: i32) -> i32 {
    %c0_i32 = arith.constant 0 : i32
    return %arg0 : i32
  }
  func.func @transform_3(%arg0: i32) -> (i32, i32) {
    %c0_i32 = arith.constant 0 : i32
    %c0_i32_0 = arith.constant 0 : i32
    %c0_i32_1 = arith.constant 0 : i32
    return %c0_i32, %c0_i32_0 : i32, i32
  }
  func.func @transform_4(%arg0: i32) -> (i32, i32) {
    %c0_i32 = arith.constant 0 : i32
    %c0_i32_0 = arith.constant 0 : i32
    return %arg0, %c0_i32 : i32, i32
  }
}

module attributes {stable_mosaic.version = 14 : i64} {
  func.func @_lambda_(%arg0: i32, %arg1: memref<1048576xi32, #tpu.memory_space<vmem>>) attributes {dimension_semantics = [#tpu.dimension_semantics<arbitrary>], iteration_bounds = array<i64: 16>, scalar_prefetch = 0 : i64, scratch_operands = 0 : i64, tpu.core_type = #tpu.core_type<tc>, window_params = [{transform_indices = @transform_0, window_bounds = array<i64: 1048576>}]} {
    %broadcast_in_dim3A = arith.constant 0 : i32
    %broadcast_in_dim3A_0 = vector.broadcast %broadcast_in_dim3A : i32 to vector<1048576xi32>
    %swap3A = arith.constant 0 : index
    %swap3A_1 = vector.load %arg1[%swap3A] : memref<1048576xi32, #tpu.memory_space<vmem>>, vector<1048576xi32>
    tpu.vector_store %arg1[%swap3A], %broadcast_in_dim3A_0 {strides = array<i32>} : memref<1048576xi32, #tpu.memory_space<vmem>>, vector<1048576xi32>,
    return
  }
  func.func @transform_0(%arg0: i32) -> i32 {
    %c0_i32 = arith.constant 0 : i32
    return %arg0 : i32
  }
}

</mosaic_0001>

<sc_bundles>
// kernel: kernel.5.cloned.1.call-start
scs
__scs_entry_jumppad:
0x0: {  	(pc) =	sbr.rel $0x88, $3  }
0x1: {  	(tag) =	ssettag $0x0;
	lr =	simm.s32 $0x1  }
0x2: {  	[smem:$0x3F9C] =	sst lr;
	_ =	strace $0xD0000000  }
0x3: {  	_ = 	snop  }
0x4: {  	_ = 	snop  }
0x5: {  	_ = 	snop  }
0x6: {  	_ = 	snop  }
0x7: {  	_ = 	snop  }
__scs_overlays_trampoline_lowered:
0x8: {  	[smem:$0x3FAB] =	sst s0  }
0x9: {  	[smem:$0x3FAC] =	sst s1  }
0xa: {  	[smem:$0x3FAD] =	sst s2  }
0xb: {  	[smem:$0x3FAE] =	sst s3  }
0xc: {  	[smem:$0x3FAF] =	sst s4  }
0xd: {  	[smem:$0x3FB0] =	sst s5  }
0xe: {  	[smem:$0x3FB1] =	sst s6  }
0xf: {  	[smem:$0x3FB2] =	sst s7  }
0x10: {  	[smem:$0x3FB3] =	sst s8  }
0x11: {  	[smem:$0x3FB4] =	sst s9;
	s0 =	simm.s32 @!p0 $0x0  }
0x12: {  	s1 =	sld [smem:$0x3F9A];
	s0 =	simm.s32 @p0 $0x1  }
0x13: {  	[smem:$0x3FB5] =	sst s0;
	s0 =	simm.s32 @!p1 $0x0  }
0x14: {  	s2 =	sld [smem:$0x3F99];
	s0 =	simm.s32 @p1 $0x1  }
0x15: {  	[smem:$0x3FB6] =	sst s0;
	s0 =	simm.s32 @!p2 $0x0  }
0x16: {  	s3 =	sld [smem:$0x3FDB];
	s0 =	simm.s32 @p2 $0x1  }
0x17: {  	s4 =	simm.s32 $0x1BF5;
	[smem:$0x3FB8] =	sst s0  }
0x18: {  	s0 =	sld [smem:$0x3F9B];
	_ =	swait.ge [sflag:s4], $0x0  }
0x19: {  	s7 =	sld [smem:$0x3F9C]  }
0x1a: {  	s8 =	sadd.s32 $0xFFFFE003, lr  }
0x1b: {  	s9 =	sadd.s32 $0xFFFFFEF7, lr;
	s5 =	simm.s32 $0xFFFFFFFF;
	p2 =	slt.u32 s8, $0xFFFFF086  }
0x1c: {  	p1 =	slt.u32 s9, $0xF7A;
	s5 =	simm.s32 @!p2 $0x0  }
0x1d: {  	s5 =	simm.s32 @p1 $0x1;
	p0 =	seq.s32 s7, s2  }
0x1e: {  	s7 =	smul.u32 @!p0 $0xF7A, s2;
	p2 =	seq.s32 @!p0 s5, $0x0  }
0x1f: {  	s9 =	smul.u32 $0xF7A, s1;
	s8 =	simm.s32 @!p0 $0x1BF5;
	p2 =	por !p2, p0  }
0x20: {  	[sflag:s8] =	ssyncset.s32 @!p0 $0xFFFFF086;
	s6 =	sadd.s32 @!p0 s3, s7;
	s7 =	simm.s32 @!p0 $0x108  }
0x21: {  	s3 =	sadd.s32 s3, s9;
	s6 =	sadd.s32 @!p0 $0x88, s6;
	s7 =	simm.s32 @p2 $0x1082  }
0x22: {  	[simem:s7], [sflag:s8] =	dma.local @!p0 [hbm:s6], $0xF7A  }
0x23: {  	s9 =	sor.u32 $0xD0000000, s2;
	s6 =	simm.s32 $0x108;
	_ =	swait.ge @!p0 [sflag:s8], $0x0  }
0x24: {  	s3 =	sadd.s32 $0x88, s3;
	s6 =	simm.s32 @!p1 $0x1082;
	[sflag:s4] =	ssyncset.s32 $0xFFFFF086  }
0x25: {  	[simem:s6], [sflag:s4] =	dma.local [hbm:s3], $0xF7A  }
0x26: {  	[smem:$0x3F9C] =	sst s1;
	(tag) =	ssettag s2;
	_ =	strace s9  }
0x27: {  	s1 =	sld [smem:$0x3FAC]  }
0x28: {  	s2 =	sld [smem:$0x3FAD]  }
0x29: {  	s4 =	sld [smem:$0x3FAF]  }
0x2a: {  	p0 =	seq.s32 s5, $0x0;
	s5 =	sld [smem:$0x3FB0]  }
0x2b: {  	s6 =	sld [smem:$0x3FB1]  }
0x2c: {  	s7 =	sld [smem:$0x3FB2]  }
0x2d: {  	s3 =	simm.s32 $0x108;
	s8 =	sld [smem:$0x3FB3]  }
0x2e: {  	s3 =	simm.s32 @!p0 $0x1082;
	s9 =	sld [smem:$0x3FB4]  }
0x2f: {  	lr =	sadd.s32 s0, s3;
	s0 =	sld [smem:$0x3FAB]  }
0x30: {  	s3 =	sld [smem:$0x3FAE]  }
0x31: {  	[smem:$0x3FB7] =	sst s10  }
0x32: {  	s10 =	sld [smem:$0x3FB5];
	_ =	sdelay $0x3  }
0x33: {  	p0 =	seq.s32 s10, $0x1;
	s10 =	sld [smem:$0x3FB7];
	_ =	sdelay $0x3  }
0x34: {  	[smem:$0x3FB7] =	sst s10  }
0x35: {  	s10 =	sld [smem:$0x3FB6];
	_ =	sdelay $0x3  }
0x36: {  	p1 =	seq.s32 s10, $0x1;
	s10 =	sld [smem:$0x3FB7];
	_ =	sdelay $0x3  }
0x37: {  	[smem:$0x3FB7] =	sst s10  }
0x38: {  	s10 =	sld [smem:$0x3FB8]  }
0x39: {  	_ = 	snop;
	(pc) =	sbr.ind lr, $3  }
0x3a: {  	_ = 	snop  }
0x3b: {  	_ = 	snop  }
0x3c: {  	p2 =	seq.s32 s10, $0x1;
	s10 =	sld [smem:$0x3FB7]  }
0x3d: {  	_ =	shalt  }
0x3e: {  	_ =	shalt  }
0x3f: {  	_ =	shalt  }
0x40: {  	_ =	shalt  }
0x41: {  	_ =	shalt  }
0x42: {  	_ =	shalt  }
0x43: {  	_ =	shalt  }
0x44: {  	_ =	shalt  }
0x45: {  	_ =	shalt  }
0x46: {  	_ =	shalt  }
0x47: {  	_ =	shalt  }
0x48: {  	_ =	shalt  }
0x49: {  	_ =	shalt  }
0x4a: {  	_ =	shalt  }
0x4b: {  	_ =	shalt  }
0x4c: {  	_ =	shalt  }
0x4d: {  	_ =	shalt  }
0x4e: {  	_ =	shalt  }
0x4f: {  	_ =	shalt  }
0x50: {  	_ =	shalt  }
0x51: {  	_ =	shalt  }
0x52: {  	_ =	shalt  }
0x53: {  	_ =	shalt  }
0x54: {  	_ =	shalt  }
0x55: {  	_ =	shalt  }
0x56: {  	_ =	shalt  }
0x57: {  	_ =	shalt  }
0x58: {  	_ =	shalt  }
0x59: {  	_ =	shalt  }
0x5a: {  	_ =	shalt  }
0x5b: {  	_ =	shalt  }
0x5c: {  	_ =	shalt  }
0x5d: {  	_ =	shalt  }
0x5e: {  	_ =	shalt  }
0x5f: {  	_ =	shalt  }
0x60: {  	_ =	shalt  }
0x61: {  	_ =	shalt  }
0x62: {  	_ =	shalt  }
0x63: {  	_ =	shalt  }
0x64: {  	_ =	shalt  }
0x65: {  	_ =	shalt  }
0x66: {  	_ =	shalt  }
0x67: {  	_ =	shalt  }
0x68: {  	_ =	shalt  }
0x69: {  	_ =	shalt  }
0x6a: {  	_ =	shalt  }
0x6b: {  	_ =	shalt  }
0x6c: {  	_ =	shalt  }
0x6d: {  	_ =	shalt  }
0x6e: {  	_ =	shalt  }
0x6f: {  	_ =	shalt  }
0x70: {  	_ =	shalt  }
0x71: {  	_ =	shalt  }
0x72: {  	_ =	shalt  }
0x73: {  	_ =	shalt  }
0x74: {  	_ =	shalt  }
0x75: {  	_ =	shalt  }
0x76: {  	_ =	shalt  }
0x77: {  	_ =	shalt  }
0x78: {  	_ =	shalt  }
0x79: {  	_ =	shalt  }
0x7a: {  	_ =	shalt  }
0x7b: {  	_ =	shalt  }
0x7c: {  	_ =	shalt  }
0x7d: {  	_ =	shalt  }
0x7e: {  	_ =	shalt  }
0x7f: {  	_ =	shalt  }
0x80: {  	_ =	shalt  }
0x81: {  	_ =	shalt  }
0x82: {  	_ =	shalt  }
0x83: {  	_ =	shalt  }
0x84: {  	_ =	shalt  }
0x85: {  	_ =	shalt  }
0x86: {  	_ =	shalt  }
0x87: {  	_ =	shalt  }
.Lfunc_end0:
.L_simem_size_0:
called_computation_lowered:
.L_overlay_start_0:
0x88: {  	s2 =	sld [smem:$0x3FD9]  }
0x89: {  	s3 =	sld [smem:$0x3FFE];
	_ =	sdelay $0x1  }
0x8a: {  	s1 =	srdreg.scid  }
0x8b: {  	s0 =	sand.u32 $0x1, s1  }
0x8c: {  	s17 =	sshll.u32 s0, $0xA;
	s2 =	sadd.s32 s3, s2  }
0x8d: {  	s2 =	sadd.s32 s2, s17  }
0x8e: {  	[smem:$0x3FC3] =	sst s2  }
0x8f: {  	_ = 	snop  }
0x90: {  	s2 =	sld [smem:$0x3FD0];
	(tm) =	ssettm $0x1  }
0x91: {  	s18 =	sld [smem:$0x3FFB];
	_ =	sdelay $0x3  }
0x92: {  	_ =	strace s18  }
0x93: {  	s3 =	sld [smem:$0x3FFC];
	_ =	sdelay $0x3  }
0x94: {  	_ =	strace s3  }
0x95: {  	s3 =	sld [smem:$0x3FFD];
	_ =	sdelay $0x3  }
0x96: {  	_ =	strace s3  }
0x97: {  	_ =	strace $0x8FFFFFFF  }
0x98: {  	s19 =	sld [smem:$0x3FDB];
	_ =	sdelay $0x1  }
0x99: {  	s4 =	simm.s32 $_scs_section_size  }
0x9a: {  	s5 =	simm.s32 $_size__tile_overlayer_lowered;
	s6 =	simm.s32 $_tile_overlayer_lowered  }
0x9b: {  	s22 =	simm.s32 $0x1BFF;
	s21 =	sshll.u32 s6, $0x1;
	s3 =	sadd.s32 s4, s19  }
0x9c: {  	s7 =	simm.s32 $0x0;
	s20 =	sshll.u32 s5, $0x1;
	s5 =	sadd.s32 s21, s3  }
0x9d: {  	[timem:s7], [sflag:s22] =	dma.local [hbm:s5], s20  }
0x9e: {  	_ =	swait.ge [sflag:s22], s20  }
0x9f: {  	s4 =	ssub.s32 $0x0, s20;
	[sflag:s22] =	ssyncset.done $0x0  }
0xa0: {  	[sflag:s22] =	ssyncadd.s32 s4;
	_ =	sdelay $0x1  }
0xa1: {  	s23 =	simm.s32 $0x1B8B  }
0xa2: {  	_ =	swait.ge [sflag:s23], $0x1  }
0xa3: {  	[sflag:s23] =	ssyncset.done $0x0  }
0xa4: {  	s25 =	simm.s32 $0x1B8E;
	s24 =	sld [smem:$0x3FFE];
	[sflag:s23] =	ssyncadd.s32 $0xFFFFFFFF  }
0xa5: {  	s26 =	simm.s32 $execute0_lowered;
	[smem:$0x3FD2] =	sst s25  }
0xa6: {  	s5 =	sshll.u32 s26, $0x1;
	_ =	strace $0x80000046;
	[dreg:$0x1] =	wrdreg $0xFFFFFFFF  }
0xa7: {  	s28 =	simm.s32 $_size_execute0_lowered;
	s3 =	sadd.s32 s3, s5;
	[dreg:$0x0] =	wrdreg $0x0  }
0xa8: {  	s5 =	sshll.u32 s28, $0x1;
	[dreg:$0x2] =	wrdreg s3  }
0xa9: {  	[dreg:$0x3] =	wrdreg s5  }
0xaa: {  	[dreg:$0x4] =	wrdreg $0xC0  }
0xab: {  	_ =	task [dreg:s7], $0x5FFFF  }
0xac: {  	[dreg:$0x1] =	wrdreg $0xFFFFFFFF  }
0xad: {  	[dreg:$0x0] =	wrdreg $0x60  }
0xae: {  	[dreg:$0x2] =	wrdreg s24  }
0xaf: {  	[dreg:$0x3] =	wrdreg s2  }
0xb0: {  	[dreg:$0x4] =	wrdreg $0x9  }
0xb1: {  	_ =	task.clear_ibuf [dreg:s7], $0x5FFFF;
	_ =	strace $0x90000046  }
0xb2: {  	s29 =	simm.s32 $0x9;
	_ =	strace $0x80000048  }
0xb3: {  	_ =	swait.ge [sflag:s29], $0x1  }
0xb4: {  	[sflag:s29] =	ssyncadd.s32 $0xFFFFFFFF  }
0xb5: {  	_ =	strace $0x90000048  }
0xb6: {  	_ =	sfence  }
0xb7: {  	s30 =	sld [smem:$0x0];
	_ =	sdelay $0x2  }
0xb8: {  	s31 =	sshll.u32 s1, $0xD;
	s1 =	sshrl.u32 s1, $0x2  }
0xb9: {  	s3 =	sand.u32 $0x4000, s31;
	s1 =	sadd.s32 s1, s30  }
0xba: {  	s0 =	sor.u32 s3, s0;
	s1 =	sshll.u32 s1, $0x11  }
0xbb: {  	s0 =	sor.u32 s1, s0  }
0xbc: {  	s0 =	sadd.s32 $0x8F2B, s0  }
0xbd: {  	[sflag:s0] =	ssyncadd.remote.s32 $0x1  }
0xbe: {  	_ =	sfence.sel $0xFFFF  }
0xbf: {  	[dreg:$0x0] =	wrdreg $0xFFFFFFFF;
	(pc) =	sbr.abs _section_cstart, $3  }
0xc0: {  	[dreg:$0x1] =	wrdreg $0xFFFFFFFF  }
0xc1: {  	_ =	task.clear_ibuf [dreg:s7], $0x2FFFF;
	_ =	strace $0x9FFFFFFF  }
0xc2: {  	(tm) =	ssettm $0x7FFFFFFF  }
0xc3: {  	_ =	shalt  }
tec
execute0_lowered:
.L_overlay_start_1:
0x0: {  	(tag) =	ssettag $0x1  }
0x1: {  	s3 =	rddreg [dreg:$0x0];
	s1 =	srdreg.scid  }
0x2: {  	s0 =	stileid.u32;
	s4 =	rddreg [dreg:$0x1];
	s2 =	simm.s32 $0x0  }
0x3: {  	s8 =	simm.s32 $0x6800;
	s9 =	simm.s32 $0x1;
	s10 =	simm.s32 $0x0  }
0x4: {  	s5 =	sand.u32 $0x1, s1;
	s6 =	sshll.u32 s0, $0x1;
	s1 =	rddreg [dreg:$0x2]  }
0x5: {  	[smem:$0x7FF] =	sst s2;
	s6 =	sor.u32 s5, s6;
	s5 =	ssub.s32 $0x2, s5  }
0x6: {  	s3 =	sadd.s32 $0x600, s3;
	s6 =	smul.u32 $0xD00, s6;
	s7 =	sshrl.u32 s5, $0x1  }
0x7: {  	_ =	strace $0x80000047;
	s5 =	ssub.s32 s5, s7;
	s7 =	simm.s32 $0x80  }
0x8: {  	v0 =	vimm.s32 $0x1;
	s4 =	sadd.s32 s4, s6;
	s5 =	smax.u32 s5, $0x1;
	s6 =	simm.s32 $0x2  }
.LBB2_1:
0x9: {  	[tilespmem:s2], [sflag:$0x2] =	stream.linear.gather [hbm4b:s4+s2], $0x6680, $0x38;
	[tilespmem:$0x6880] =	vst v63  }
0xa: {  	_ =	swait.ge [sflag:s6], $0x6680  }
0xb: {  	[sflag:s6] =	ssyncset.done $0x0  }
0xc: {  	[sflag:s6] =	ssyncadd.s32 $0xFFFF9980  }
0xd: {  	[tilespmem:$0x6800] =	vst v0  }
0xe: {  	[tilespmem:$0x6810] =	vst v0  }
0xf: {  	[tilespmem:$0x6820] =	vst v0  }
0x10: {  	[tilespmem:$0x6830] =	vst v0  }
0x11: {  	[tilespmem:$0x6840] =	vst v0  }
0x12: {  	[tilespmem:$0x6850] =	vst v0  }
0x13: {  	[tilespmem:$0x6860] =	vst v0  }
0x14: {  	s11 =	simm.s32 $0x0;
	[tilespmem:$0x6870] =	vst v0  }
.LBB2_2:
0x15: {  	p0 =	sne.s32 s11, $0x19800  }
.Ltmp0:
0x16: {  	_ = 	snop;
	(pc) =	sbr.rel @p0 .LBB2_2-.Ltmp0, $3  }
0x17: {  	_ =	sdelay $0x1  }
0x18: {  	s12 =	sshra.s32 s11, $0x2;
	s11 =	sadd.s32 $0x200, s11  }
0x19: {  	[hbm4b:s3+s7] =	stream.indirect.scatter [tilespmem:s8], [sflag:$0x1], $0x1, s12, s7, $0xb8;
	[tilespmem:$0x6880] =	vst v63  }
0x1a: {  	_ =	swait.ge [sflag:s9], $0x80  }
0x1b: {  	s11 =	simm.s32 $0xCC;
	[sflag:s9] =	ssyncset.done $0x0  }
.LBB2_4:
0x1c: {  	p0 =	sne.s32 s11, $0x1;
	s11 =	sadd.s32 $0xFFFFFFFF, s11;
	[sflag:s9] =	ssyncadd.s32 $0xFFFFFF80  }
.Ltmp1:
0x1d: {  	(pc) =	sbr.rel @p0 .LBB2_4-.Ltmp1, $3  }
0x1e: {  	_ =	sdelay $0x1  }
0x1f: {  	_ =	swait.ge [sflag:s9], $0x80  }
0x20: {  	[sflag:s9] =	ssyncset.done $0x0  }
0x21: {  	s10 =	sadd.s32 $0x1, s10  }
0x22: {  	p0 =	sne.s32 s10, s5  }
.Ltmp2:
0x23: {  	_ = 	snop;
	(pc) =	sbr.rel @p0 .LBB2_1-.Ltmp2, $2  }
0x24: {  	_ =	sdelay $0x2  }
0x25: {  	[sflag:s9] =	ssyncadd.s32 $0xFFFFFF80  }
0x26: {  	_ =	sfence.sel $0x180000  }
0x27: {  	[bflag:$0x0] =	sbarrier.arrive $0xFFFF  }
0x28: {  	p0 =	sne.s32 s0, $0x0;
	_ =	strace $0x90000047  }
0x29: {  	s0 =	sadd.s32 @!p0 $0x100000, s1;
	[bflag:$0x2] =	sbarrier.arrive $0xFFFF  }
0x2a: {  	[sflag:s0] =	ssyncadd.tile.s32 @!p0 $0x1;
	_ =	shalt  }
.Lfunc_end2:
_tile_overlayer_lowered:
.L_overlay_start_2:
0x2b: {  	(tag) =	ssettag $0x2  }
0x2c: {  	s0 =	rddreg [dreg:$0x0];
	s2 =	stileid.u32  }
0x2d: {  	s1 =	rddreg [dreg:$0x1];
	p0 =	sne.s32 s2, $0x0  }
0x2e: {  	s3 =	rddreg [dreg:$0x2];
	[bflag:$0x3] =	sbarrier.arrive $0xFFFF;
	s2 =	simm.s32 @!p0 $0x1C02  }
0x2f: {  	[timem:s3], [sflag:s2] =	dma.local @!p0 [hbm:s0], s1  }
0x30: {  	s0 =	simm.s32 @!p0 $0x2  }
0x31: {  	_ =	swait.ge @!p0 [sflag:s0], s1  }
0x32: {  	s1 =	ssub.s32 @!p0 $0x0, s1;
	[sflag:s0] =	ssyncset.done @!p0 $0x0  }
0x33: {  	[sflag:s0] =	ssyncadd.s32 @!p0 s1  }
0x34: {  	[bflag:$0x3] =	sbarrier.arrive $0xFFFF  }
0x35: {  	_ =	shalt  }

</sc_bundles>
